<compile_context>
chip_gen: v7x
topology: tpu7x:2x2x1
jax: 0.10.2.dev20260603
libtpu: 0.0.44.dev20260713+nightly
codegen_flags: <defaults>
</compile_context>

<pallas_src>
import functools

import jax
import jax.numpy as jnp
from jax import lax
from jax.experimental import pallas as pl
from jax.experimental.pallas import tpu as pltpu
from jax.experimental.pallas import tpu_sc as plsc

_N_EMBED = 1024
_EMBED_DIM = 64
_BETA = 0.25
_ROWS = 16384
_TILE = 1024
_GRID = _ROWS // _TILE

_NC = 2
_NS = 16
_NW = _NC * _NS
_RPW = _ROWS // _NW
_CHUNK = 128


def _l2n(x, eps=1e-12):
    n = jnp.linalg.norm(x, ord=2, axis=-1, keepdims=True)
    return x / jnp.maximum(n, eps)


_HGRID = _ROWS // 2 // _TILE


def _tc_body(z_ref, ent_ref, esq_ref, idx_ref, loss_ref):
    i = pl.program_id(0)
    z = z_ref[...]
    nrm = jnp.sqrt(jnp.sum(z * z, axis=1, keepdims=True))
    zn = z / jnp.maximum(nrm, 1e-12)
    zsq = jnp.sum(zn * zn, axis=1, keepdims=True)
    s = lax.dot_general(zn, ent_ref[...], (((1,), (0,)), ((), ())),
                        precision=lax.Precision.DEFAULT,
                        preferred_element_type=jnp.float32)
    d2 = (zsq - 2.0 * s) + esq_ref[...]
    dist = jnp.sqrt(jnp.maximum(d2, 0.0))
    m = jnp.min(dist, axis=1, keepdims=True)
    iota = lax.broadcasted_iota(jnp.int32, (_TILE, _N_EMBED), 1)
    big = jnp.int32(_N_EMBED)
    idx = jnp.min(jnp.where(dist == m, iota, big), axis=1, keepdims=True)
    idx_ref[...] = idx

    part = jnp.sum(m * m)

    @pl.when(i == 0)
    def _init():
        loss_ref[0, 0] = 0.0

    loss_ref[0, 0] += part

    @pl.when(i == _GRID - 1)
    def _fin():
        loss_ref[0, 0] = loss_ref[0, 0] * jnp.float32(
            _BETA / (_ROWS * _EMBED_DIM))


_HROWS = _ROWS // 2
_HRPW = _HROWS // _NW


def _sc_body(emb_hbm, idx_hbm, out_hbm, idx_v, q_v, sem):
    wid = lax.axis_index("s") * _NC + lax.axis_index("c")
    base = wid * _HRPW
    pltpu.sync_copy(idx_hbm.at[pl.ds(base, _HRPW)], idx_v)
    cps = []
    for j in range(_HRPW // _CHUNK):
        cps.append(pltpu.async_copy(
            emb_hbm.at[idx_v.at[pl.ds(j * _CHUNK, _CHUNK)]],
            q_v.at[pl.ds(j * _CHUNK, _CHUNK)], sem))
    for cp in cps:
        cp.wait()
    pltpu.sync_copy(q_v, out_hbm.at[pl.ds(base, _HRPW)])


@functools.cache
def _sc_gather():
    return pl.kernel(
        _sc_body,
        mesh=plsc.VectorSubcoreMesh(core_axis_name="c",
                                    subcore_axis_name="s"),
        out_type=jax.ShapeDtypeStruct((_HROWS, 2 * _EMBED_DIM),
                                      jnp.float32),
        scratch_types=[
            pltpu.VMEM((_HRPW,), jnp.int32),
            pltpu.VMEM((_HRPW, 2 * _EMBED_DIM), jnp.float32),
            pltpu.SemaphoreType.DMA,
        ],
    )


def _st_body(z_ref, qa_ref, qb_ref, out_ref):
    h = pl.program_id(0)
    z = z_ref[...]
    qp = jnp.where(h == 0, qa_ref[...], qb_ref[...])
    q = qp[:, :_EMBED_DIM]
    out_ref[...] = z + (q - z)


@jax.jit
def kernel(z, embed_weight):
    flat_z = z.reshape(-1, _EMBED_DIM)
    en = _l2n(embed_weight)
    esq = jnp.sum(en * en, axis=1)[None, :]
    ent = en.T

    grid_spec = pl.GridSpec(
        grid=(_GRID,),
        in_specs=[
            pl.BlockSpec((_TILE, _EMBED_DIM), lambda i: (i, 0)),
            pl.BlockSpec((_EMBED_DIM, _N_EMBED), lambda i: (0, 0)),
            pl.BlockSpec((1, _N_EMBED), lambda i: (0, 0)),
        ],
        out_specs=[
            pl.BlockSpec((_TILE, 1), lambda i: (i, 0)),
            pl.BlockSpec(memory_space=pltpu.SMEM),
        ],
    )
    idx, loss = pl.pallas_call(
        _tc_body,
        grid_spec=grid_spec,
        out_shape=[
            jax.ShapeDtypeStruct((_ROWS, 1), jnp.int32),
            jax.ShapeDtypeStruct((1, 1), jnp.float32),
        ],
    )(flat_z, ent, esq)

    embp = jnp.pad(embed_weight, ((0, 0), (0, _EMBED_DIM)))
    idx1d = idx.reshape(_ROWS)
    qa = _sc_gather()(embp, idx1d[:_HROWS])
    qb = _sc_gather()(embp, idx1d[_HROWS:])

    hgrid = _HROWS // _TILE
    qst = pl.pallas_call(
        _st_body,
        grid=(2, hgrid),
        in_specs=[
            pl.BlockSpec((_TILE, _EMBED_DIM), lambda h, i: (h * hgrid + i, 0)),
            pl.BlockSpec((_TILE, 2 * _EMBED_DIM), lambda h, i: (i, 0)),
            pl.BlockSpec((_TILE, 2 * _EMBED_DIM), lambda h, i: (i, 0)),
        ],
        out_specs=pl.BlockSpec((_TILE, _EMBED_DIM),
                               lambda h, i: (h * hgrid + i, 0)),
        out_shape=jax.ShapeDtypeStruct((_ROWS, _EMBED_DIM), jnp.float32),
    )(flat_z, qa, qb)

    quantized_st = qst.reshape(z.shape)
    encoding_indices = idx.reshape(z.shape[:-1])
    vq_loss = loss[0, 0]
    return quantized_st, encoding_indices, vq_loss

# --- scband reference (transcript-rebuilt; emitter-appended) ---
"""Pipeline reference for scband-emavector-quantizer-28338194219131 (READ-ONLY COPY).

The authoritative reference and input builder live on the scoring server;
editing this copy changes nothing except your own understanding.
"""

import jax, jax.numpy as jnp
import numpy as np

N_EMBED = 1024
EMBED_DIM = 64
BETA = 0.25


def _l2norm(x, eps=1e-12):
    n = jnp.linalg.norm(x, ord=2, axis=-1, keepdims=True)
    return x / jnp.maximum(n, eps)


def setup_inputs(seed: int = 0) -> dict:
    key = jax.random.key(seed)
    kz, kw = jax.random.split(key)
    z = jax.random.normal(kz, (16, 1024, 64), dtype=jnp.float32)
    embed_weight = jax.random.uniform(kw, (N_EMBED, EMBED_DIM), dtype=jnp.float32,
                                      minval=-1.0 / N_EMBED, maxval=1.0 / N_EMBED)
    return {"z": z, "embed_weight": embed_weight}


def reference(z, embed_weight):
    # Inference-mode forward (training=False): no EMA buffer updates / restarts.
    flat_z = z.reshape(-1, EMBED_DIM)
    zn = _l2norm(flat_z)              # use_l2_norm=True
    en = _l2norm(embed_weight)
    # torch.cdist(p=2) between normalized z and normalized codebook
    d2 = (jnp.sum(zn * zn, axis=1, keepdims=True)
          - 2.0 * (zn @ en.T)
          + jnp.sum(en * en, axis=1)[None, :])
    dist = jnp.sqrt(jnp.maximum(d2, 0.0))
    encoding_indices = jnp.argmin(dist, axis=1)
    # quantized uses UNNORMALIZED embedding rows (gather)
    quantized = jnp.take(embed_weight, encoding_indices, axis=0).reshape(z.shape)
    # commitment loss on normalized vectors (quant side detached)
    quant_norm = _l2norm(quantized.reshape(-1, EMBED_DIM))
    commitment_loss = jnp.mean((jax.lax.stop_gradient(quant_norm) - zn) ** 2)
    vq_loss = BETA * commitment_loss
    # straight-through estimator
    quantized_st = z + jax.lax.stop_gradient(quantized - z)
    return quantized_st, encoding_indices.reshape(z.shape[:-1]), vq_loss

if __name__ == "__main__":
    import jax
    _d = setup_inputs()
    print(jax.jit(kernel)(*tuple(_d.values())))

</pallas_src>

<mosaic_0001>
#map = affine_map<(d0, d1) -> (0, 0)>
#map1 = affine_map<(d0, d1) -> (0)>
module attributes {stable_mosaic.version = 14 : i64} {
  func.func @_sc_body(%arg0: i32, %arg1: i32, %arg2: memref<1024x128xf32, #tpu.memory_space<hbm>>, %arg3: memref<8192xi32, #tpu.memory_space<hbm>>, %arg4: memref<8192x128xf32, #tpu.memory_space<hbm>>, %arg5: memref<256xi32, #tpu.memory_space<vmem>>, %arg6: memref<256x128xf32, #tpu.memory_space<vmem>>, %arg7: memref<!tpu.dma_semaphore, #tpu.memory_space<semaphore_mem>>) attributes {dimension_semantics = [#tpu.dimension_semantics<core_parallel>, #tpu.dimension_semantics<subcore_parallel>], iteration_bounds = array<i64: 2, 16>, scalar_prefetch = 0 : i64, scratch_operands = 3 : i64, tpu.core_type = #tpu.core_type<sc_vector_subcore>, window_params = [{transform_indices = #map}, {transform_indices = #map1}, {transform_indices = #map}]} {
    %mul3A = arith.constant 2 : i32
    %mul3A_0 = arith.muli %arg1, %mul3A : i32
    %add3A = arith.addi %mul3A_0, %arg0 : i32
    %mul3A_1 = arith.constant 256 : i32
    %mul3A_2 = arith.muli %add3A, %mul3A_1 : i32
    "tpu.region"() ({
      %run_scoped3A = tpu.sem_alloc : memref<!tpu.dma_semaphore, #tpu.memory_space<semaphore_mem>>
      %dma_start3A_33 = tpu.memref_slice %arg3[%mul3A_2] : memref<8192xi32, #tpu.memory_space<hbm>> -> memref<256xi32, #tpu.memory_space<hbm>>
      %dma_start3A_34 = tpu.memref_slice %arg3[%mul3A_2] : memref<8192xi32, #tpu.memory_space<hbm>> -> memref<256xi32, #tpu.memory_space<hbm>>
      tpu.enqueue_dma source(%dma_start3A_34 : memref<256xi32, #tpu.memory_space<hbm>>) target(%arg5 : memref<256xi32, #tpu.memory_space<vmem>>) target_semaphore(%run_scoped3A : memref<!tpu.dma_semaphore, #tpu.memory_space<semaphore_mem>>)
      %dma_wait3A_35 = tpu.memref_slice %arg3[%mul3A_2] : memref<8192xi32, #tpu.memory_space<hbm>> -> memref<256xi32, #tpu.memory_space<hbm>>
      %dma_wait3A_36 = tpu.memref_slice %arg3[%mul3A_2] : memref<8192xi32, #tpu.memory_space<hbm>> -> memref<256xi32, #tpu.memory_space<hbm>>
      tpu.wait_dma2 semaphore(%run_scoped3A : memref<!tpu.dma_semaphore, #tpu.memory_space<semaphore_mem>>) src(%dma_wait3A_36 : memref<256xi32, #tpu.memory_space<hbm>>) dst(%arg5 : memref<256xi32, #tpu.memory_space<vmem>>)
      tpu.yield
    }) : () -> ()
    %dma_start3A = arith.constant 0 : i32
    %dma_start3A_3 = arith.constant 0 : i32
    %dma_start3A_4 = tpu.memref_slice %arg6[%dma_start3A, %dma_start3A_3] : memref<256x128xf32, #tpu.memory_space<vmem>> -> memref<128x128xf32, #tpu.memory_space<vmem>>
    %dma_start3A_5 = arith.constant 0 : i32
    %dma_start3A_6 = tpu.memref_slice %arg5[%dma_start3A_5] : memref<256xi32, #tpu.memory_space<vmem>> -> memref<128xi32, #tpu.memory_space<vmem>>
    %dma_start3A_7 = arith.constant 0 : i32
    %dma_start3A_8 = arith.constant 0 : i32
    %dma_start3A_9 = tpu.memref_slice %arg2[%dma_start3A_7, %dma_start3A_8] : memref<1024x128xf32, #tpu.memory_space<hbm>> -> memref<1024x128xf32, #tpu.memory_space<hbm>>
    tpu.enqueue_indirect_dma source(%dma_start3A_9 : memref<1024x128xf32, #tpu.memory_space<hbm>>) target(%dma_start3A_4 : memref<128x128xf32, #tpu.memory_space<vmem>>) offsets(%dma_start3A_6 : memref<128xi32, #tpu.memory_space<vmem>>) semaphore(%arg7 : memref<!tpu.dma_semaphore, #tpu.memory_space<semaphore_mem>>)
    %dma_start3A_10 = arith.constant 128 : i32
    %dma_start3A_11 = arith.constant 0 : i32
    %dma_start3A_12 = tpu.memref_slice %arg6[%dma_start3A_10, %dma_start3A_11] : memref<256x128xf32, #tpu.memory_space<vmem>> -> memref<128x128xf32, #tpu.memory_space<vmem>>
    %dma_start3A_13 = arith.constant 128 : i32
    %dma_start3A_14 = tpu.memref_slice %arg5[%dma_start3A_13] : memref<256xi32, #tpu.memory_space<vmem>> -> memref<128xi32, #tpu.memory_space<vmem>>
    %dma_start3A_15 = arith.constant 0 : i32
    %dma_start3A_16 = arith.constant 0 : i32
    %dma_start3A_17 = tpu.memref_slice %arg2[%dma_start3A_15, %dma_start3A_16] : memref<1024x128xf32, #tpu.memory_space<hbm>> -> memref<1024x128xf32, #tpu.memory_space<hbm>>
    tpu.enqueue_indirect_dma source(%dma_start3A_17 : memref<1024x128xf32, #tpu.memory_space<hbm>>) target(%dma_start3A_12 : memref<128x128xf32, #tpu.memory_space<vmem>>) offsets(%dma_start3A_14 : memref<128xi32, #tpu.memory_space<vmem>>) semaphore(%arg7 : memref<!tpu.dma_semaphore, #tpu.memory_space<semaphore_mem>>)
    %dma_wait3A = arith.constant 0 : i32
    %dma_wait3A_18 = arith.constant 0 : i32
    %dma_wait3A_19 = tpu.memref_slice %arg6[%dma_wait3A, %dma_wait3A_18] : memref<256x128xf32, #tpu.memory_space<vmem>> -> memref<128x128xf32, #tpu.memory_space<vmem>>
    %dma_wait3A_20 = arith.constant 0 : i32
    %dma_wait3A_21 = tpu.memref_slice %arg5[%dma_wait3A_20] : memref<256xi32, #tpu.memory_space<vmem>> -> memref<128xi32, #tpu.memory_space<vmem>>
    %dma_wait3A_22 = arith.constant 0 : i32
    %dma_wait3A_23 = arith.constant 0 : i32
    %dma_wait3A_24 = tpu.memref_slice %arg2[%dma_wait3A_22, %dma_wait3A_23] : memref<1024x128xf32, #tpu.memory_space<hbm>> -> memref<1024x128xf32, #tpu.memory_space<hbm>>
    tpu.wait_indirect_dma semaphore(%arg7 : memref<!tpu.dma_semaphore, #tpu.memory_space<semaphore_mem>>) src(%dma_wait3A_24 : memref<1024x128xf32, #tpu.memory_space<hbm>>) dst(%dma_wait3A_19 : memref<128x128xf32, #tpu.memory_space<vmem>>)
    %dma_wait3A_25 = arith.constant 128 : i32
    %dma_wait3A_26 = arith.constant 0 : i32
    %dma_wait3A_27 = tpu.memref_slice %arg6[%dma_wait3A_25, %dma_wait3A_26] : memref<256x128xf32, #tpu.memory_space<vmem>> -> memref<128x128xf32, #tpu.memory_space<vmem>>
    %dma_wait3A_28 = arith.constant 128 : i32
    %dma_wait3A_29 = tpu.memref_slice %arg5[%dma_wait3A_28] : memref<256xi32, #tpu.memory_space<vmem>> -> memref<128xi32, #tpu.memory_space<vmem>>
    %dma_wait3A_30 = arith.constant 0 : i32
    %dma_wait3A_31 = arith.constant 0 : i32
    %dma_wait3A_32 = tpu.memref_slice %arg2[%dma_wait3A_30, %dma_wait3A_31] : memref<1024x128xf32, #tpu.memory_space<hbm>> -> memref<1024x128xf32, #tpu.memory_space<hbm>>
    tpu.wait_indirect_dma semaphore(%arg7 : memref<!tpu.dma_semaphore, #tpu.memory_space<semaphore_mem>>) src(%dma_wait3A_32 : memref<1024x128xf32, #tpu.memory_space<hbm>>) dst(%dma_wait3A_27 : memref<128x128xf32, #tpu.memory_space<vmem>>)
    "tpu.region"() ({
      %run_scoped3A = tpu.sem_alloc : memref<!tpu.dma_semaphore, #tpu.memory_space<semaphore_mem>>
      %dma_start3A_33 = arith.constant 0 : i32
      %dma_start3A_34 = tpu.memref_slice %arg4[%mul3A_2, %dma_start3A_33] : memref<8192x128xf32, #tpu.memory_space<hbm>> -> memref<256x128xf32, #tpu.memory_space<hbm>>
      %dma_start3A_35 = arith.constant 0 : i32
      %dma_start3A_36 = tpu.memref_slice %arg4[%mul3A_2, %dma_start3A_35] : memref<8192x128xf32, #tpu.memory_space<hbm>> -> memref<256x128xf32, #tpu.memory_space<hbm>>
      tpu.enqueue_dma source(%arg6 : memref<256x128xf32, #tpu.memory_space<vmem>>) target(%dma_start3A_36 : memref<256x128xf32, #tpu.memory_space<hbm>>) target_semaphore(%run_scoped3A : memref<!tpu.dma_semaphore, #tpu.memory_space<semaphore_mem>>)
      %dma_wait3A_37 = arith.constant 0 : i32
      %dma_wait3A_38 = tpu.memref_slice %arg4[%mul3A_2, %dma_wait3A_37] : memref<8192x128xf32, #tpu.memory_space<hbm>> -> memref<256x128xf32, #tpu.memory_space<hbm>>
      %dma_wait3A_39 = arith.constant 0 : i32
      %dma_wait3A_40 = tpu.memref_slice %arg4[%mul3A_2, %dma_wait3A_39] : memref<8192x128xf32, #tpu.memory_space<hbm>> -> memref<256x128xf32, #tpu.memory_space<hbm>>
      tpu.wait_dma2 semaphore(%run_scoped3A : memref<!tpu.dma_semaphore, #tpu.memory_space<semaphore_mem>>) src(%arg6 : memref<256x128xf32, #tpu.memory_space<vmem>>) dst(%dma_wait3A_40 : memref<256x128xf32, #tpu.memory_space<hbm>>)
      tpu.yield
    }) : () -> ()
    return
  }
}

#map = affine_map<(d0, d1) -> (0, 0)>
#map1 = affine_map<(d0, d1) -> (0)>
module attributes {stable_mosaic.version = 14 : i64} {
  func.func @_sc_body(%arg0: i32, %arg1: i32, %arg2: memref<1024x128xf32, #tpu.memory_space<hbm>>, %arg3: memref<8192xi32, #tpu.memory_space<hbm>>, %arg4: memref<8192x128xf32, #tpu.memory_space<hbm>>, %arg5: memref<256xi32, #tpu.memory_space<vmem>>, %arg6: memref<256x128xf32, #tpu.memory_space<vmem>>, %arg7: memref<!tpu.dma_semaphore, #tpu.memory_space<semaphore_mem>>) attributes {dimension_semantics = [#tpu.dimension_semantics<core_parallel>, #tpu.dimension_semantics<subcore_parallel>], iteration_bounds = array<i64: 2, 16>, scalar_prefetch = 0 : i64, scratch_operands = 3 : i64, tpu.core_type = #tpu.core_type<sc_vector_subcore>, window_params = [{transform_indices = #map}, {transform_indices = #map1}, {transform_indices = #map}]} {
    %mul3A = arith.constant 2 : i32
    %mul3A_0 = arith.muli %arg1, %mul3A : i32
    %add3A = arith.addi %mul3A_0, %arg0 : i32
    %mul3A_1 = arith.constant 256 : i32
    %mul3A_2 = arith.muli %add3A, %mul3A_1 : i32
    "tpu.region"() ({
      %run_scoped3A = tpu.sem_alloc : memref<!tpu.dma_semaphore, #tpu.memory_space<semaphore_mem>>
      %dma_start3A_33 = tpu.memref_slice %arg3[%mul3A_2] : memref<8192xi32, #tpu.memory_space<hbm>> -> memref<256xi32, #tpu.memory_space<hbm>>
      %dma_start3A_34 = tpu.memref_slice %arg3[%mul3A_2] : memref<8192xi32, #tpu.memory_space<hbm>> -> memref<256xi32, #tpu.memory_space<hbm>>
      tpu.enqueue_dma source(%dma_start3A_34 : memref<256xi32, #tpu.memory_space<hbm>>) target(%arg5 : memref<256xi32, #tpu.memory_space<vmem>>) target_semaphore(%run_scoped3A : memref<!tpu.dma_semaphore, #tpu.memory_space<semaphore_mem>>)
      %dma_wait3A_35 = tpu.memref_slice %arg3[%mul3A_2] : memref<8192xi32, #tpu.memory_space<hbm>> -> memref<256xi32, #tpu.memory_space<hbm>>
      %dma_wait3A_36 = tpu.memref_slice %arg3[%mul3A_2] : memref<8192xi32, #tpu.memory_space<hbm>> -> memref<256xi32, #tpu.memory_space<hbm>>
      tpu.wait_dma2 semaphore(%run_scoped3A : memref<!tpu.dma_semaphore, #tpu.memory_space<semaphore_mem>>) src(%dma_wait3A_36 : memref<256xi32, #tpu.memory_space<hbm>>) dst(%arg5 : memref<256xi32, #tpu.memory_space<vmem>>)
      tpu.yield
    }) : () -> ()
    %dma_start3A = arith.constant 0 : i32
    %dma_start3A_3 = arith.constant 0 : i32
    %dma_start3A_4 = tpu.memref_slice %arg6[%dma_start3A, %dma_start3A_3] : memref<256x128xf32, #tpu.memory_space<vmem>> -> memref<128x128xf32, #tpu.memory_space<vmem>>
    %dma_start3A_5 = arith.constant 0 : i32
    %dma_start3A_6 = tpu.memref_slice %arg5[%dma_start3A_5] : memref<256xi32, #tpu.memory_space<vmem>> -> memref<128xi32, #tpu.memory_space<vmem>>
    %dma_start3A_7 = arith.constant 0 : i32
    %dma_start3A_8 = arith.constant 0 : i32
    %dma_start3A_9 = tpu.memref_slice %arg2[%dma_start3A_7, %dma_start3A_8] : memref<1024x128xf32, #tpu.memory_space<hbm>> -> memref<1024x128xf32, #tpu.memory_space<hbm>>
    tpu.enqueue_indirect_dma source(%dma_start3A_9 : memref<1024x128xf32, #tpu.memory_space<hbm>>) target(%dma_start3A_4 : memref<128x128xf32, #tpu.memory_space<vmem>>) offsets(%dma_start3A_6 : memref<128xi32, #tpu.memory_space<vmem>>) semaphore(%arg7 : memref<!tpu.dma_semaphore, #tpu.memory_space<semaphore_mem>>)
    %dma_start3A_10 = arith.constant 128 : i32
    %dma_start3A_11 = arith.constant 0 : i32
    %dma_start3A_12 = tpu.memref_slice %arg6[%dma_start3A_10, %dma_start3A_11] : memref<256x128xf32, #tpu.memory_space<vmem>> -> memref<128x128xf32, #tpu.memory_space<vmem>>
    %dma_start3A_13 = arith.constant 128 : i32
    %dma_start3A_14 = tpu.memref_slice %arg5[%dma_start3A_13] : memref<256xi32, #tpu.memory_space<vmem>> -> memref<128xi32, #tpu.memory_space<vmem>>
    %dma_start3A_15 = arith.constant 0 : i32
    %dma_start3A_16 = arith.constant 0 : i32
    %dma_start3A_17 = tpu.memref_slice %arg2[%dma_start3A_15, %dma_start3A_16] : memref<1024x128xf32, #tpu.memory_space<hbm>> -> memref<1024x128xf32, #tpu.memory_space<hbm>>
    tpu.enqueue_indirect_dma source(%dma_start3A_17 : memref<1024x128xf32, #tpu.memory_space<hbm>>) target(%dma_start3A_12 : memref<128x128xf32, #tpu.memory_space<vmem>>) offsets(%dma_start3A_14 : memref<128xi32, #tpu.memory_space<vmem>>) semaphore(%arg7 : memref<!tpu.dma_semaphore, #tpu.memory_space<semaphore_mem>>)
    %dma_wait3A = arith.constant 0 : i32
    %dma_wait3A_18 = arith.constant 0 : i32
    %dma_wait3A_19 = tpu.memref_slice %arg6[%dma_wait3A, %dma_wait3A_18] : memref<256x128xf32, #tpu.memory_space<vmem>> -> memref<128x128xf32, #tpu.memory_space<vmem>>
    %dma_wait3A_20 = arith.constant 0 : i32
    %dma_wait3A_21 = tpu.memref_slice %arg5[%dma_wait3A_20] : memref<256xi32, #tpu.memory_space<vmem>> -> memref<128xi32, #tpu.memory_space<vmem>>
    %dma_wait3A_22 = arith.constant 0 : i32
    %dma_wait3A_23 = arith.constant 0 : i32
    %dma_wait3A_24 = tpu.memref_slice %arg2[%dma_wait3A_22, %dma_wait3A_23] : memref<1024x128xf32, #tpu.memory_space<hbm>> -> memref<1024x128xf32, #tpu.memory_space<hbm>>
    tpu.wait_indirect_dma semaphore(%arg7 : memref<!tpu.dma_semaphore, #tpu.memory_space<semaphore_mem>>) src(%dma_wait3A_24 : memref<1024x128xf32, #tpu.memory_space<hbm>>) dst(%dma_wait3A_19 : memref<128x128xf32, #tpu.memory_space<vmem>>)
    %dma_wait3A_25 = arith.constant 128 : i32
    %dma_wait3A_26 = arith.constant 0 : i32
    %dma_wait3A_27 = tpu.memref_slice %arg6[%dma_wait3A_25, %dma_wait3A_26] : memref<256x128xf32, #tpu.memory_space<vmem>> -> memref<128x128xf32, #tpu.memory_space<vmem>>
    %dma_wait3A_28 = arith.constant 128 : i32
    %dma_wait3A_29 = tpu.memref_slice %arg5[%dma_wait3A_28] : memref<256xi32, #tpu.memory_space<vmem>> -> memref<128xi32, #tpu.memory_space<vmem>>
    %dma_wait3A_30 = arith.constant 0 : i32
    %dma_wait3A_31 = arith.constant 0 : i32
    %dma_wait3A_32 = tpu.memref_slice %arg2[%dma_wait3A_30, %dma_wait3A_31] : memref<1024x128xf32, #tpu.memory_space<hbm>> -> memref<1024x128xf32, #tpu.memory_space<hbm>>
    tpu.wait_indirect_dma semaphore(%arg7 : memref<!tpu.dma_semaphore, #tpu.memory_space<semaphore_mem>>) src(%dma_wait3A_32 : memref<1024x128xf32, #tpu.memory_space<hbm>>) dst(%dma_wait3A_27 : memref<128x128xf32, #tpu.memory_space<vmem>>)
    "tpu.region"() ({
      %run_scoped3A = tpu.sem_alloc : memref<!tpu.dma_semaphore, #tpu.memory_space<semaphore_mem>>
      %dma_start3A_33 = arith.constant 0 : i32
      %dma_start3A_34 = tpu.memref_slice %arg4[%mul3A_2, %dma_start3A_33] : memref<8192x128xf32, #tpu.memory_space<hbm>> -> memref<256x128xf32, #tpu.memory_space<hbm>>
      %dma_start3A_35 = arith.constant 0 : i32
      %dma_start3A_36 = tpu.memref_slice %arg4[%mul3A_2, %dma_start3A_35] : memref<8192x128xf32, #tpu.memory_space<hbm>> -> memref<256x128xf32, #tpu.memory_space<hbm>>
      tpu.enqueue_dma source(%arg6 : memref<256x128xf32, #tpu.memory_space<vmem>>) target(%dma_start3A_36 : memref<256x128xf32, #tpu.memory_space<hbm>>) target_semaphore(%run_scoped3A : memref<!tpu.dma_semaphore, #tpu.memory_space<semaphore_mem>>)
      %dma_wait3A_37 = arith.constant 0 : i32
      %dma_wait3A_38 = tpu.memref_slice %arg4[%mul3A_2, %dma_wait3A_37] : memref<8192x128xf32, #tpu.memory_space<hbm>> -> memref<256x128xf32, #tpu.memory_space<hbm>>
      %dma_wait3A_39 = arith.constant 0 : i32
      %dma_wait3A_40 = tpu.memref_slice %arg4[%mul3A_2, %dma_wait3A_39] : memref<8192x128xf32, #tpu.memory_space<hbm>> -> memref<256x128xf32, #tpu.memory_space<hbm>>
      tpu.wait_dma2 semaphore(%run_scoped3A : memref<!tpu.dma_semaphore, #tpu.memory_space<semaphore_mem>>) src(%arg6 : memref<256x128xf32, #tpu.memory_space<vmem>>) dst(%dma_wait3A_40 : memref<256x128xf32, #tpu.memory_space<hbm>>)
      tpu.yield
    }) : () -> ()
    return
  }
}

module attributes {stable_mosaic.version = 14 : i64} {
  func.func @_tc_body(%arg0: i32, %arg1: memref<1024x64xf32, #tpu.memory_space<vmem>>, %arg2: memref<64x1024xf32, #tpu.memory_space<vmem>>, %arg3: memref<1x1024xf32, #tpu.memory_space<vmem>>, %arg4: memref<1024x1xi32, #tpu.memory_space<vmem>>, %arg5: memref<1x1xf32, #tpu.memory_space<smem>>) attributes {dimension_semantics = [#tpu.dimension_semantics<arbitrary>], iteration_bounds = array<i64: 16>, scalar_prefetch = 0 : i64, scratch_operands = 0 : i64, tpu.core_type = #tpu.core_type<tc>, window_params = [{transform_indices = @transform_0, window_bounds = array<i64: 1024, 64>}, {pipeline_mode = #tpu.pipeline_mode<synchronous>, transform_indices = @transform_1, window_bounds = array<i64: 64, 1024>}, {pipeline_mode = #tpu.pipeline_mode<synchronous>, transform_indices = @transform_2, window_bounds = array<i64: 1, 1024>}, {transform_indices = @transform_3, window_bounds = array<i64: 1024, 1>}, {transform_indices = @transform_4, window_bounds = array<i64: 1, 1>}]} {
    %get3A = arith.constant 0 : index
    %get3A_0 = arith.constant 0 : index
    %get3A_1 = vector.load %arg1[%get3A, %get3A_0] : memref<1024x64xf32, #tpu.memory_space<vmem>>, vector<1024x64xf32>
    %mul3A = arith.mulf %get3A_1, %get3A_1 : vector<1024x64xf32>
    %reduce_sum3A = arith.constant dense<0.000000e+00> : vector<1024xf32>
    %reduce_sum3A_2 = vector.multi_reduction <add>, %mul3A, %reduce_sum3A [1] : vector<1024x64xf32> to vector<1024xf32>
    %broadcast_in_dim3A = vector.shape_cast %reduce_sum3A_2 : vector<1024xf32> to vector<1024x1xf32>
    %sqrt3A = math.sqrt %broadcast_in_dim3A : vector<1024x1xf32>
    %max3A = arith.constant 9.99999996E-13 : f32
    %max3A_3 = vector.broadcast %max3A : f32 to vector<1024x1xf32>
    %max3A_4 = arith.maximumf %sqrt3A, %max3A_3 : vector<1024x1xf32>
    %div3A = vector.broadcast %max3A_4 : vector<1024x1xf32> to vector<1024x64xf32>
    %div3A_5 = arith.divf %get3A_1, %div3A : vector<1024x64xf32>
    %mul3A_6 = arith.mulf %div3A_5, %div3A_5 : vector<1024x64xf32>
    %reduce_sum3A_7 = arith.constant dense<0.000000e+00> : vector<1024xf32>
    %reduce_sum3A_8 = vector.multi_reduction <add>, %mul3A_6, %reduce_sum3A_7 [1] : vector<1024x64xf32> to vector<1024xf32>
    %broadcast_in_dim3A_9 = vector.shape_cast %reduce_sum3A_8 : vector<1024xf32> to vector<1024x1xf32>
    %get3A_10 = arith.constant 0 : index
    %get3A_11 = arith.constant 0 : index
    %get3A_12 = vector.load %arg2[%get3A_10, %get3A_11] : memref<64x1024xf32, #tpu.memory_space<vmem>>, vector<64x1024xf32>
    %dot_general3A = arith.constant dense<0.000000e+00> : vector<1024x1024xf32>
    %dot_general3A_13 = tpu.matmul %div3A_5, %get3A_12, %dot_general3A {dimension_numbers = #tpu.dot_dimension_numbers<[1], [0], [0], [1], [0, 0, 1, 1], [], []>, transpose_lhs_hint = false} : vector<1024x64xf32>, vector<64x1024xf32>, vector<1024x1024xf32> -> vector<1024x1024xf32>
    %mul3A_14 = arith.constant 2.000000e+00 : f32
    %mul3A_15 = vector.broadcast %mul3A_14 : f32 to vector<1024x1024xf32>
    %mul3A_16 = arith.mulf %mul3A_15, %dot_general3A_13 : vector<1024x1024xf32>
    %sub3A = vector.broadcast %broadcast_in_dim3A_9 : vector<1024x1xf32> to vector<1024x1024xf32>
    %sub3A_17 = arith.subf %sub3A, %mul3A_16 : vector<1024x1024xf32>
    %get3A_18 = arith.constant 0 : index
    %get3A_19 = arith.constant 0 : index
    %get3A_20 = vector.load %arg3[%get3A_18, %get3A_19] : memref<1x1024xf32, #tpu.memory_space<vmem>>, vector<1x1024xf32>
    %add3A = vector.broadcast %get3A_20 : vector<1x1024xf32> to vector<1024x1024xf32>
    %add3A_21 = arith.addf %sub3A_17, %add3A : vector<1024x1024xf32>
    %max3A_22 = arith.constant 0.000000e+00 : f32
    %max3A_23 = vector.broadcast %max3A_22 : f32 to vector<1024x1024xf32>
    %max3A_24 = arith.maximumf %add3A_21, %max3A_23 : vector<1024x1024xf32>
    %sqrt3A_25 = math.sqrt %max3A_24 : vector<1024x1024xf32>
    %reduce_min3A = arith.constant dense<0x7F800000> : vector<1024xf32>
    %reduce_min3A_26 = vector.multi_reduction <minimumf>, %sqrt3A_25, %reduce_min3A [1] : vector<1024x1024xf32> to vector<1024xf32>
    %broadcast_in_dim3A_27 = vector.shape_cast %reduce_min3A_26 : vector<1024xf32> to vector<1024x1xf32>
    %iota3A = tpu.iota {dimensions = array<i32: 1>} : vector<1024x1024xi32>
    %eq3A = vector.broadcast %broadcast_in_dim3A_27 : vector<1024x1xf32> to vector<1024x1024xf32>
    %eq3A_28 = arith.cmpf oeq, %sqrt3A_25, %eq3A : vector<1024x1024xf32>
    %jit3A = arith.constant 1024 : i32
    %broadcast_in_dim3A_29 = vector.broadcast %jit3A : i32 to vector<1024x1024xi32>
    %select_n3A = arith.select %eq3A_28, %iota3A, %broadcast_in_dim3A_29 : vector<1024x1024xi1>, vector<1024x1024xi32>
    %reduce_min3A_30 = arith.constant dense<2147483647> : vector<1024xi32>
    %reduce_min3A_31 = vector.multi_reduction <minsi>, %select_n3A, %reduce_min3A_30 [1] : vector<1024x1024xi32> to vector<1024xi32>
    %broadcast_in_dim3A_32 = vector.shape_cast %reduce_min3A_31 : vector<1024xi32> to vector<1024x1xi32>
    %swap3A = arith.constant 0 : index
    %swap3A_33 = arith.constant 0 : index
    %swap3A_34 = vector.load %arg4[%swap3A, %swap3A_33] : memref<1024x1xi32, #tpu.memory_space<vmem>>, vector<1024x1xi32>
    tpu.vector_store %arg4[%swap3A, %swap3A_33], %broadcast_in_dim3A_32 {strides = array<i32>} : memref<1024x1xi32, #tpu.memory_space<vmem>>, vector<1024x1xi32>,
    %mul3A_35 = arith.mulf %broadcast_in_dim3A_27, %broadcast_in_dim3A_27 : vector<1024x1xf32>
    %reduce_sum3A_36 = vector.shape_cast %mul3A_35 : vector<1024x1xf32> to vector<1x1024x1xf32>
    %reduce_sum3A_37 = arith.constant dense<0.000000e+00> : vector<1xf32>
    %reduce_sum3A_38 = vector.multi_reduction <add>, %reduce_sum3A_36, %reduce_sum3A_37 [1, 2] : vector<1x1024x1xf32> to vector<1xf32>
    %reduce_sum3A_39 = vector.shape_cast %reduce_sum3A_38 : vector<1xf32> to vector<1x1x1xf32>
    %reduce_sum3A_40 = vector.extract %reduce_sum3A_39[0, 0, 0] : f32 from vector<1x1x1xf32>
    %eq3A_41 = arith.constant 0 : i32
    %eq3A_42 = arith.cmpi eq, %arg0, %eq3A_41 : i32
    %convert_element_type3A = arith.extui %eq3A_42 : i1 to i32
    %cond3A = arith.constant 0 : i32
    %cond3A_43 = arith.cmpi ne, %convert_element_type3A, %cond3A : i32
    scf.if %cond3A_43 {
      %swap3A_56 = arith.constant 0.000000e+00 : f32
      %swap3A_57 = arith.constant 0 : index
      %swap3A_58 = arith.constant 0 : index
      %swap3A_59 = memref.load %arg5[%swap3A_57, %swap3A_58] : memref<1x1xf32, #tpu.memory_space<smem>>
      memref.store %swap3A_56, %arg5[%swap3A_57, %swap3A_58] : memref<1x1xf32, #tpu.memory_space<smem>>
    } else {
    }
    %get3A_44 = arith.constant 0 : index
    %get3A_45 = arith.constant 0 : index
    %get3A_46 = memref.load %arg5[%get3A_44, %get3A_45] : memref<1x1xf32, #tpu.memory_space<smem>>
    %add3A_47 = arith.addf %get3A_46, %reduce_sum3A_40 : f32
    %swap3A_48 = arith.constant 0 : index
    %swap3A_49 = arith.constant 0 : index
    %swap3A_50 = memref.load %arg5[%swap3A_48, %swap3A_49] : memref<1x1xf32, #tpu.memory_space<smem>>
    memref.store %add3A_47, %arg5[%swap3A_48, %swap3A_49] : memref<1x1xf32, #tpu.memory_space<smem>>
    %eq3A_51 = arith.constant 15 : i32
    %eq3A_52 = arith.cmpi eq, %arg0, %eq3A_51 : i32
    %convert_element_type3A_53 = arith.extui %eq3A_52 : i1 to i32
    %cond3A_54 = arith.constant 0 : i32
    %cond3A_55 = arith.cmpi ne, %convert_element_type3A_53, %cond3A_54 : i32
    scf.if %cond3A_55 {
      %get3A_56 = arith.constant 0 : index
      %get3A_57 = arith.constant 0 : index
      %get3A_58 = memref.load %arg5[%get3A_56, %get3A_57] : memref<1x1xf32, #tpu.memory_space<smem>>
      %mul3A_59 = arith.constant 2.38418579E-7 : f32
      %mul3A_60 = arith.mulf %get3A_58, %mul3A_59 : f32
      %swap3A_61 = arith.constant 0 : index
      %swap3A_62 = arith.constant 0 : index
      %swap3A_63 = memref.load %arg5[%swap3A_61, %swap3A_62] : memref<1x1xf32, #tpu.memory_space<smem>>
      memref.store %mul3A_60, %arg5[%swap3A_61, %swap3A_62] : memref<1x1xf32, #tpu.memory_space<smem>>
    } else {
    }
    return
  }
  func.func @transform_0(%arg0: i32) -> (i32, i32) {
    %c0_i32 = arith.constant 0 : i32
    %c0_i32_0 = arith.constant 0 : i32
    return %arg0, %c0_i32 : i32, i32
  }
  func.func @transform_1(%arg0: i32) -> (i32, i32) {
    %c0_i32 = arith.constant 0 : i32
    %c0_i32_0 = arith.constant 0 : i32
    %c0_i32_1 = arith.constant 0 : i32
    return %c0_i32, %c0_i32_0 : i32, i32
  }
  func.func @transform_2(%arg0: i32) -> (i32, i32) {
    %c0_i32 = arith.constant 0 : i32
    %c0_i32_0 = arith.constant 0 : i32
    %c0_i32_1 = arith.constant 0 : i32
    return %c0_i32, %c0_i32_0 : i32, i32
  }
  func.func @transform_3(%arg0: i32) -> (i32, i32) {
    %c0_i32 = arith.constant 0 : i32
    %c0_i32_0 = arith.constant 0 : i32
    return %arg0, %c0_i32 : i32, i32
  }
  func.func @transform_4(%arg0: i32) -> (i32, i32) {
    %c0_i32 = arith.constant 0 : i32
    %c0_i32_0 = arith.constant 0 : i32
    %c0_i32_1 = arith.constant 0 : i32
    return %c0_i32, %c0_i32_0 : i32, i32
  }
}

module attributes {stable_mosaic.version = 14 : i64} {
  func.func @_st_body(%arg0: i32, %arg1: i32, %arg2: memref<1024x64xf32, #tpu.memory_space<vmem>>, %arg3: memref<1024x128xf32, #tpu.memory_space<vmem>>, %arg4: memref<1024x128xf32, #tpu.memory_space<vmem>>, %arg5: memref<1024x64xf32, #tpu.memory_space<vmem>>) attributes {dimension_semantics = [#tpu.dimension_semantics<arbitrary>, #tpu.dimension_semantics<arbitrary>], iteration_bounds = array<i64: 2, 8>, scalar_prefetch = 0 : i64, scratch_operands = 0 : i64, tpu.core_type = #tpu.core_type<tc>, window_params = [{transform_indices = @transform_0, window_bounds = array<i64: 1024, 64>}, {transform_indices = @transform_1, window_bounds = array<i64: 1024, 128>}, {transform_indices = @transform_2, window_bounds = array<i64: 1024, 128>}, {transform_indices = @transform_3, window_bounds = array<i64: 1024, 64>}]} {
    %get3A = arith.constant 0 : index
    %get3A_0 = arith.constant 0 : index
    %get3A_1 = vector.load %arg2[%get3A, %get3A_0] : memref<1024x64xf32, #tpu.memory_space<vmem>>, vector<1024x64xf32>
    %eq3A = arith.constant 0 : i32
    %eq3A_2 = arith.cmpi eq, %arg0, %eq3A : i32
    %get3A_3 = arith.constant 0 : index
    %get3A_4 = arith.constant 0 : index
    %get3A_5 = vector.load %arg3[%get3A_3, %get3A_4] : memref<1024x128xf32, #tpu.memory_space<vmem>>, vector<1024x128xf32>
    %get3A_6 = arith.constant 0 : index
    %get3A_7 = arith.constant 0 : index
    %get3A_8 = vector.load %arg4[%get3A_6, %get3A_7] : memref<1024x128xf32, #tpu.memory_space<vmem>>, vector<1024x128xf32>
    %select_n3A = arith.select %eq3A_2, %get3A_5, %get3A_8 : vector<1024x128xf32>
    %slice3A = vector.extract_strided_slice %select_n3A {offsets = [0, 0], sizes = [1024, 64], strides = [1, 1]} : vector<1024x128xf32> to vector<1024x64xf32>
    %sub3A = arith.subf %slice3A, %get3A_1 : vector<1024x64xf32>
    %add3A = arith.addf %get3A_1, %sub3A : vector<1024x64xf32>
    %swap3A = arith.constant 0 : index
    %swap3A_9 = arith.constant 0 : index
    %swap3A_10 = vector.load %arg5[%swap3A, %swap3A_9] : memref<1024x64xf32, #tpu.memory_space<vmem>>, vector<1024x64xf32>
    tpu.vector_store %arg5[%swap3A, %swap3A_9], %add3A {strides = array<i32>} : memref<1024x64xf32, #tpu.memory_space<vmem>>, vector<1024x64xf32>,
    return
  }
  func.func @transform_0(%arg0: i32, %arg1: i32) -> (i32, i32) {
    %mul3A = arith.constant 8 : i32
    %mul3A_0 = arith.muli %arg0, %mul3A : i32
    %add3A = arith.addi %mul3A_0, %arg1 : i32
    %c0_i32 = arith.constant 0 : i32
    %c0_i32_1 = arith.constant 0 : i32
    return %add3A, %c0_i32 : i32, i32
  }
  func.func @transform_1(%arg0: i32, %arg1: i32) -> (i32, i32) {
    %c0_i32 = arith.constant 0 : i32
    %c0_i32_0 = arith.constant 0 : i32
    return %arg1, %c0_i32 : i32, i32
  }
  func.func @transform_2(%arg0: i32, %arg1: i32) -> (i32, i32) {
    %c0_i32 = arith.constant 0 : i32
    %c0_i32_0 = arith.constant 0 : i32
    return %arg1, %c0_i32 : i32, i32
  }
  func.func @transform_3(%arg0: i32, %arg1: i32) -> (i32, i32) {
    %mul3A = arith.constant 8 : i32
    %mul3A_0 = arith.muli %arg0, %mul3A : i32
    %add3A = arith.addi %mul3A_0, %arg1 : i32
    %c0_i32 = arith.constant 0 : i32
    %c0_i32_1 = arith.constant 0 : i32
    return %add3A, %c0_i32 : i32, i32
  }
}

</mosaic_0001>

<sc_bundles>
// kernel: kernel.6.cloned.1.call-start
scs
__scs_entry_jumppad:
0x0: {  	(pc) =	sbr.rel $0x88, $3  }
0x1: {  	(tag) =	ssettag $0x0;
	lr =	simm.s32 $0x1  }
0x2: {  	[smem:$0x3F9F] =	sst lr;
	_ =	strace $0xD0000000  }
0x3: {  	_ = 	snop  }
0x4: {  	_ = 	snop  }
0x5: {  	_ = 	snop  }
0x6: {  	_ = 	snop  }
0x7: {  	_ = 	snop  }
__scs_overlays_trampoline_lowered:
0x8: {  	[smem:$0x3FAE] =	sst s0  }
0x9: {  	[smem:$0x3FAF] =	sst s1  }
0xa: {  	[smem:$0x3FB0] =	sst s2  }
0xb: {  	[smem:$0x3FB1] =	sst s3  }
0xc: {  	[smem:$0x3FB2] =	sst s4  }
0xd: {  	[smem:$0x3FB3] =	sst s5  }
0xe: {  	[smem:$0x3FB4] =	sst s6  }
0xf: {  	[smem:$0x3FB5] =	sst s7  }
0x10: {  	[smem:$0x3FB6] =	sst s8  }
0x11: {  	[smem:$0x3FB7] =	sst s9;
	s0 =	simm.s32 @!p0 $0x0  }
0x12: {  	s1 =	sld [smem:$0x3F9D];
	s0 =	simm.s32 @p0 $0x1  }
0x13: {  	[smem:$0x3FB8] =	sst s0;
	s0 =	simm.s32 @!p1 $0x0  }
0x14: {  	s2 =	sld [smem:$0x3F9C];
	s0 =	simm.s32 @p1 $0x1  }
0x15: {  	[smem:$0x3FB9] =	sst s0;
	s0 =	simm.s32 @!p2 $0x0  }
0x16: {  	s3 =	sld [smem:$0x3FDB];
	s0 =	simm.s32 @p2 $0x1  }
0x17: {  	s4 =	simm.s32 $0x1BF5;
	[smem:$0x3FBB] =	sst s0  }
0x18: {  	s0 =	sld [smem:$0x3F9E];
	_ =	swait.ge [sflag:s4], $0x0  }
0x19: {  	s7 =	sld [smem:$0x3F9F]  }
0x1a: {  	s8 =	sadd.s32 $0xFFFFE003, lr  }
0x1b: {  	s9 =	sadd.s32 $0xFFFFFEF7, lr;
	s5 =	simm.s32 $0xFFFFFFFF;
	p2 =	slt.u32 s8, $0xFFFFF086  }
0x1c: {  	p1 =	slt.u32 s9, $0xF7A;
	s5 =	simm.s32 @!p2 $0x0  }
0x1d: {  	s5 =	simm.s32 @p1 $0x1;
	p0 =	seq.s32 s7, s2  }
0x1e: {  	s7 =	smul.u32 @!p0 $0xF7A, s2;
	p2 =	seq.s32 @!p0 s5, $0x0  }
0x1f: {  	s9 =	smul.u32 $0xF7A, s1;
	s8 =	simm.s32 @!p0 $0x1BF5;
	p2 =	por !p2, p0  }
0x20: {  	[sflag:s8] =	ssyncset.s32 @!p0 $0xFFFFF086;
	s6 =	sadd.s32 @!p0 s3, s7;
	s7 =	simm.s32 @!p0 $0x108  }
0x21: {  	s3 =	sadd.s32 s3, s9;
	s6 =	sadd.s32 @!p0 $0x88, s6;
	s7 =	simm.s32 @p2 $0x1082  }
0x22: {  	[simem:s7], [sflag:s8] =	dma.local @!p0 [hbm:s6], $0xF7A  }
0x23: {  	s9 =	sor.u32 $0xD0000000, s2;
	s6 =	simm.s32 $0x108;
	_ =	swait.ge @!p0 [sflag:s8], $0x0  }
0x24: {  	s3 =	sadd.s32 $0x88, s3;
	s6 =	simm.s32 @!p1 $0x1082;
	[sflag:s4] =	ssyncset.s32 $0xFFFFF086  }
0x25: {  	[simem:s6], [sflag:s4] =	dma.local [hbm:s3], $0xF7A  }
0x26: {  	[smem:$0x3F9F] =	sst s1;
	(tag) =	ssettag s2;
	_ =	strace s9  }
0x27: {  	s1 =	sld [smem:$0x3FAF]  }
0x28: {  	s2 =	sld [smem:$0x3FB0]  }
0x29: {  	s4 =	sld [smem:$0x3FB2]  }
0x2a: {  	p0 =	seq.s32 s5, $0x0;
	s5 =	sld [smem:$0x3FB3]  }
0x2b: {  	s6 =	sld [smem:$0x3FB4]  }
0x2c: {  	s7 =	sld [smem:$0x3FB5]  }
0x2d: {  	s3 =	simm.s32 $0x108;
	s8 =	sld [smem:$0x3FB6]  }
0x2e: {  	s3 =	simm.s32 @!p0 $0x1082;
	s9 =	sld [smem:$0x3FB7]  }
0x2f: {  	lr =	sadd.s32 s0, s3;
	s0 =	sld [smem:$0x3FAE]  }
0x30: {  	s3 =	sld [smem:$0x3FB1]  }
0x31: {  	[smem:$0x3FBA] =	sst s10  }
0x32: {  	s10 =	sld [smem:$0x3FB8];
	_ =	sdelay $0x3  }
0x33: {  	p0 =	seq.s32 s10, $0x1;
	s10 =	sld [smem:$0x3FBA];
	_ =	sdelay $0x3  }
0x34: {  	[smem:$0x3FBA] =	sst s10  }
0x35: {  	s10 =	sld [smem:$0x3FB9];
	_ =	sdelay $0x3  }
0x36: {  	p1 =	seq.s32 s10, $0x1;
	s10 =	sld [smem:$0x3FBA];
	_ =	sdelay $0x3  }
0x37: {  	[smem:$0x3FBA] =	sst s10  }
0x38: {  	s10 =	sld [smem:$0x3FBB]  }
0x39: {  	_ = 	snop;
	(pc) =	sbr.ind lr, $3  }
0x3a: {  	_ = 	snop  }
0x3b: {  	_ = 	snop  }
0x3c: {  	p2 =	seq.s32 s10, $0x1;
	s10 =	sld [smem:$0x3FBA]  }
0x3d: {  	_ =	shalt  }
0x3e: {  	_ =	shalt  }
0x3f: {  	_ =	shalt  }
0x40: {  	_ =	shalt  }
0x41: {  	_ =	shalt  }
0x42: {  	_ =	shalt  }
0x43: {  	_ =	shalt  }
0x44: {  	_ =	shalt  }
0x45: {  	_ =	shalt  }
0x46: {  	_ =	shalt  }
0x47: {  	_ =	shalt  }
0x48: {  	_ =	shalt  }
0x49: {  	_ =	shalt  }
0x4a: {  	_ =	shalt  }
0x4b: {  	_ =	shalt  }
0x4c: {  	_ =	shalt  }
0x4d: {  	_ =	shalt  }
0x4e: {  	_ =	shalt  }
0x4f: {  	_ =	shalt  }
0x50: {  	_ =	shalt  }
0x51: {  	_ =	shalt  }
0x52: {  	_ =	shalt  }
0x53: {  	_ =	shalt  }
0x54: {  	_ =	shalt  }
0x55: {  	_ =	shalt  }
0x56: {  	_ =	shalt  }
0x57: {  	_ =	shalt  }
0x58: {  	_ =	shalt  }
0x59: {  	_ =	shalt  }
0x5a: {  	_ =	shalt  }
0x5b: {  	_ =	shalt  }
0x5c: {  	_ =	shalt  }
0x5d: {  	_ =	shalt  }
0x5e: {  	_ =	shalt  }
0x5f: {  	_ =	shalt  }
0x60: {  	_ =	shalt  }
0x61: {  	_ =	shalt  }
0x62: {  	_ =	shalt  }
0x63: {  	_ =	shalt  }
0x64: {  	_ =	shalt  }
0x65: {  	_ =	shalt  }
0x66: {  	_ =	shalt  }
0x67: {  	_ =	shalt  }
0x68: {  	_ =	shalt  }
0x69: {  	_ =	shalt  }
0x6a: {  	_ =	shalt  }
0x6b: {  	_ =	shalt  }
0x6c: {  	_ =	shalt  }
0x6d: {  	_ =	shalt  }
0x6e: {  	_ =	shalt  }
0x6f: {  	_ =	shalt  }
0x70: {  	_ =	shalt  }
0x71: {  	_ =	shalt  }
0x72: {  	_ =	shalt  }
0x73: {  	_ =	shalt  }
0x74: {  	_ =	shalt  }
0x75: {  	_ =	shalt  }
0x76: {  	_ =	shalt  }
0x77: {  	_ =	shalt  }
0x78: {  	_ =	shalt  }
0x79: {  	_ =	shalt  }
0x7a: {  	_ =	shalt  }
0x7b: {  	_ =	shalt  }
0x7c: {  	_ =	shalt  }
0x7d: {  	_ =	shalt  }
0x7e: {  	_ =	shalt  }
0x7f: {  	_ =	shalt  }
0x80: {  	_ =	shalt  }
0x81: {  	_ =	shalt  }
0x82: {  	_ =	shalt  }
0x83: {  	_ =	shalt  }
0x84: {  	_ =	shalt  }
0x85: {  	_ =	shalt  }
0x86: {  	_ =	shalt  }
0x87: {  	_ =	shalt  }
.Lfunc_end0:
.L_simem_size_0:
called_computation_lowered:
.L_overlay_start_0:
0x88: {  	s2 =	sld [smem:$0x3FD9]  }
0x89: {  	s3 =	sld [smem:$0x3FFE];
	_ =	sdelay $0x1  }
0x8a: {  	s1 =	srdreg.scid  }
0x8b: {  	s0 =	sand.u32 $0x1, s1  }
0x8c: {  	s15 =	sshll.u32 s0, $0xA;
	s2 =	sadd.s32 s3, s2  }
0x8d: {  	s2 =	sadd.s32 s2, s15  }
0x8e: {  	[smem:$0x3FC6] =	sst s2  }
0x8f: {  	_ = 	snop  }
0x90: {  	s2 =	sld [smem:$0x3FD0];
	_ =	sdelay $0x2  }
0x91: {  	s16 =	simm.s32 $0xB;
	s4 =	simm.s32 $0x10  }
0x92: {  	[smem:s4], [sflag:s16] =	dma.local [hbm:s2], $0x1  }
0x93: {  	_ =	swait.eq [sflag:s16], $0x1  }
0x94: {  	[sflag:s16] =	ssyncset.done $0x0  }
0x95: {  	[sflag:s16] =	ssyncadd.s32 $0xFFFFFFFF  }
0x96: {  	s17 =	sld [smem:$0x10];
	(tm) =	ssettm $0x1  }
0x97: {  	s18 =	sld [smem:$0x3FFB];
	_ =	sdelay $0x3  }
0x98: {  	_ =	strace s18  }
0x99: {  	s2 =	sld [smem:$0x3FFC];
	_ =	sdelay $0x3  }
0x9a: {  	_ =	strace s2  }
0x9b: {  	s2 =	sld [smem:$0x3FFD];
	_ =	sdelay $0x3  }
0x9c: {  	_ =	strace s2  }
0x9d: {  	_ =	strace $0x8FFFFFFF  }
0x9e: {  	s19 =	sld [smem:$0x3FDB];
	_ =	sdelay $0x1  }
0x9f: {  	s20 =	simm.s32 $_scs_section_size  }
0xa0: {  	s5 =	simm.s32 $_size__tile_overlayer_lowered;
	s6 =	simm.s32 $_tile_overlayer_lowered  }
0xa1: {  	s7 =	simm.s32 $0x1BFF;
	s21 =	sshll.u32 s6, $0x1;
	s4 =	sadd.s32 s20, s19  }
0xa2: {  	s22 =	simm.s32 $0x0;
	s5 =	sshll.u32 s5, $0x1;
	s6 =	sadd.s32 s21, s4  }
0xa3: {  	[timem:s22], [sflag:s7] =	dma.local [hbm:s6], s5  }
0xa4: {  	_ =	swait.ge [sflag:s7], s5  }
0xa5: {  	s5 =	ssub.s32 $0x0, s5;
	[sflag:s7] =	ssyncset.done $0x0  }
0xa6: {  	[sflag:s7] =	ssyncadd.s32 s5;
	_ =	sdelay $0x1  }
0xa7: {  	s23 =	simm.s32 $0x1B8B  }
0xa8: {  	_ =	swait.ge [sflag:s23], $0x1  }
0xa9: {  	[sflag:s23] =	ssyncset.done $0x0  }
0xaa: {  	[sflag:s23] =	ssyncadd.s32 $0xFFFFFFFF  }
0xab: {  	s5 =	sld [smem:$0x0]  }
0xac: {  	s6 =	sand.u32 $0xFFFFFFFE, s1  }
0xad: {  	p0 =	sne.s32 s1, s6  }
0xae: {  	s6 =	sshll.u32 @p0 s6, $0xE  }
0xaf: {  	s6 =	sadd.s32 @p0 $0x11B8D, s6;
	s7 =	sshll.u32 @p0 s5, $0x11  }
0xb0: {  	s6 =	sor.u32 @p0 s7, s6  }
0xb1: {  	[sflag:s6] =	ssyncadd.remote.s32 @p0 $0x1;
	_ =	sdelay $0x1  }
0xb2: {  	s6 =	simm.s32 @p0 $0x1B8D  }
0xb3: {  	_ =	swait.eq @p0 [sflag:s6], $0x1  }
0xb4: {  	[sflag:s6] =	ssyncadd.s32 @p0 $0xFFFFFFFF  }
0xb5: {  	s7 =	sshll.u32 @!p0 s1, $0xE  }
0xb6: {  	s7 =	sor.u32 @!p0 $0x4000, s7;
	s6 =	simm.s32 @!p0 $0x1B8D  }
0xb7: {  	s5 =	sshll.u32 @!p0 s5, $0x11;
	s7 =	sadd.s32 @!p0 $0x11B8D, s7;
	_ =	swait.eq @!p0 [sflag:s6], $0x1  }
0xb8: {  	s5 =	sor.u32 @!p0 s5, s7;
	[sflag:s6] =	ssyncadd.s32 @!p0 $0xFFFFFFFF  }
0xb9: {  	s25 =	simm.s32 $0x1B8E;
	s24 =	sld [smem:$0x3FFE];
	[sflag:s5] =	ssyncadd.remote.s32 @!p0 $0x1  }
0xba: {  	s26 =	simm.s32 $execute0_lowered;
	[smem:$0x3FD2] =	sst s25  }
0xbb: {  	s6 =	sshll.u32 s26, $0x1;
	_ =	strace $0x80000049;
	[dreg:$0x1] =	wrdreg $0xFFFFFFFF  }
0xbc: {  	s28 =	simm.s32 $_size_execute0_lowered;
	s4 =	sadd.s32 s4, s6;
	[dreg:$0x0] =	wrdreg $0x0  }
0xbd: {  	s6 =	sshll.u32 s28, $0x1;
	[dreg:$0x2] =	wrdreg s4  }
0xbe: {  	[dreg:$0x3] =	wrdreg s6  }
0xbf: {  	[dreg:$0x4] =	wrdreg $0xC0  }
0xc0: {  	_ =	task [dreg:s22], $0x5FFFF  }
0xc1: {  	[dreg:$0x1] =	wrdreg $0xFFFFFFFF  }
0xc2: {  	[dreg:$0x0] =	wrdreg $0x60  }
0xc3: {  	[dreg:$0x2] =	wrdreg s24  }
0xc4: {  	[dreg:$0x3] =	wrdreg s17  }
0xc5: {  	[dreg:$0x4] =	wrdreg $0x9  }
0xc6: {  	_ =	task.clear_ibuf [dreg:s22], $0x5FFFF;
	_ =	strace $0x90000049  }
0xc7: {  	s29 =	simm.s32 $0x9;
	_ =	strace $0x8000004B  }
0xc8: {  	_ =	swait.ge [sflag:s29], $0x1  }
0xc9: {  	[sflag:s29] =	ssyncadd.s32 $0xFFFFFFFF  }
0xca: {  	_ =	strace $0x9000004B  }
0xcb: {  	_ =	sfence  }
0xcc: {  	s30 =	sld [smem:$0x0];
	_ =	sdelay $0x2  }
0xcd: {  	s31 =	sshll.u32 s1, $0xD;
	s1 =	sshrl.u32 s1, $0x2  }
0xce: {  	s4 =	sand.u32 $0x4000, s31;
	s1 =	sadd.s32 s1, s30  }
0xcf: {  	s0 =	sor.u32 s4, s0;
	s1 =	sshll.u32 s1, $0x11  }
0xd0: {  	s0 =	sor.u32 s1, s0  }
0xd1: {  	s0 =	sadd.s32 $0x8F2B, s0  }
0xd2: {  	[sflag:s0] =	ssyncadd.remote.s32 $0x1  }
0xd3: {  	_ =	sfence.sel $0xFFFF  }
0xd4: {  	[dreg:$0x0] =	wrdreg $0xFFFFFFFF;
	(pc) =	sbr.abs _section_cstart, $3  }
0xd5: {  	[dreg:$0x1] =	wrdreg $0xFFFFFFFF  }
0xd6: {  	_ =	task.clear_ibuf [dreg:s22], $0x2FFFF;
	_ =	strace $0x9FFFFFFF  }
0xd7: {  	(tm) =	ssettm $0x7FFFFFFF  }
tec
execute0_lowered:
.L_overlay_start_1:
0x0: {  	(tag) =	ssettag $0x1  }
0x1: {  	s1 =	srdreg.scid  }
0x2: {  	s0 =	stileid.u32;
	s10 =	sand.u32 $0x1, s1  }
0x3: {  	s5 =	rddreg [dreg:$0x0];
	s29 =	sshll.u32 s0, $0x9;
	s2 =	sshll.u32 s10, $0x8  }
0x4: {  	s11 =	rddreg [dreg:$0x1];
	s12 =	sor.u32 s2, s29  }
0x5: {  	s1 =	rddreg [dreg:$0x2];
	s2 =	simm.s32 $0x0;
	s3 =	sshrl.u32 s12, $0x3  }
0x6: {  	[smem:$0x7FF] =	sst s2;
	s3 =	sadd.s32 s3, s5  }
0x7: {  	_ =	strace $0x8000004A;
	s4 =	sadd.s32 $0x64400, s3;
	s3 =	simm.s32 $0x2  }
0x8: {  	[tilespmem:s2], [sflag:$0x2] =	stream.linear.gather [hbm4b:s4+s2], $0x100, $0x38;
	[tilespmem:$0x8100] =	vst v63  }
0x9: {  	_ =	swait.ge [sflag:s3], $0x100  }
0xa: {  	s6 =	simm.s32 $0x80;
	[sflag:s3] =	ssyncset.done $0x0  }
0xb: {  	s7 =	simm.s32 $0x100;
	s5 =	sadd.s32 $0x40400, s5;
	[sflag:s3] =	ssyncadd.s32 $0xFFFFFF00  }
0xc: {  	[tilespmem:s7], [sflag:$0x1] =	stream.indirect.gather [hbm4b:s5+s6], $0x80, s2, s6, $0xb8;
	[tilespmem:$0x8100] =	vst v63  }
0xd: {  	s8 =	simm.s32 $0x4100;
	s9 =	simm.s32 $0x1;
	s10 =	ssub.s32 $0x2, s10  }
0xe: {  	[tilespmem:s8], [sflag:$0x1] =	stream.indirect.gather [hbm4b:s5+s6], $0x80, s6, s6, $0xb8;
	[tilespmem:$0x8100] =	vst v63  }
0xf: {  	s13 =	sshrl.u32 s10, $0x1;
	_ =	swait.ge [sflag:s9], $0x4000  }
0x10: {  	s13 =	ssub.s32 s10, s13;
	[sflag:s9] =	ssyncset.done $0x0  }
0x11: {  	s31 =	smax.u32 s13, $0x1;
	[sflag:s9] =	ssyncadd.s32 $0xFFFFC000  }
0x12: {  	p0 =	sne.s32 s31, $0x1;
	_ =	swait.ge [sflag:s9], $0x4000  }
.Ltmp0:
0x13: {  	s30 =	sshll.u32 s12, $0x4;
	[sflag:s9] =	ssyncset.done $0x0;
	(pc) =	sbr.rel @!p0 .LBB2_2-.Ltmp0, $4  }
0x14: {  	s10 =	sadd.s32 s11, s30;
	[sflag:s9] =	ssyncadd.s32 $0xFFFFC000  }
0x15: {  	[hbm4b:s10+s2] =	stream.linear.scatter [tilespmem:s7], [sflag:$0x2], $0x8000, $0x38;
	[tilespmem:$0x8100] =	vst v63  }
0x16: {  	_ =	swait.ge [sflag:s3], $0x8000  }
0x17: {  	s11 =	sadd.s32 $0xFFFFFFFF, s31;
	[sflag:s3] =	ssyncset.done $0x0  }
.LBB2_1:
0x18: {  	p0 =	sne.s32 s11, $0x1;
	s11 =	sadd.s32 $0xFFFFFFFF, s11;
	[sflag:s3] =	ssyncadd.s32 $0xFFFF8000  }
0x19: {  	[tilespmem:s2], [sflag:$0x2] =	stream.linear.gather [hbm4b:s4+s2], $0x100, $0x38;
	[tilespmem:$0x8100] =	vst v63  }
0x1a: {  	_ =	swait.ge [sflag:s3], $0x100  }
0x1b: {  	[sflag:s3] =	ssyncset.done $0x0  }
0x1c: {  	[sflag:s3] =	ssyncadd.s32 $0xFFFFFF00  }
0x1d: {  	[tilespmem:s7], [sflag:$0x1] =	stream.indirect.gather [hbm4b:s5+s6], $0x80, s2, s6, $0xb8;
	[tilespmem:$0x8100] =	vst v63  }
0x1e: {  	_ = 	snop  }
0x1f: {  	[tilespmem:s8], [sflag:$0x1] =	stream.indirect.gather [hbm4b:s5+s6], $0x80, s6, s6, $0xb8;
	[tilespmem:$0x8100] =	vst v63  }
0x20: {  	_ =	swait.ge [sflag:s9], $0x4000  }
0x21: {  	[sflag:s9] =	ssyncset.done $0x0  }
0x22: {  	[sflag:s9] =	ssyncadd.s32 $0xFFFFC000  }
0x23: {  	_ =	swait.ge [sflag:s9], $0x4000  }
.Ltmp1:
0x24: {  	[sflag:s9] =	ssyncset.done $0x0;
	(pc) =	sbr.rel @p0 .LBB2_1-.Ltmp1, $4  }
0x25: {  	[sflag:s9] =	ssyncadd.s32 $0xFFFFC000  }
0x26: {  	[hbm4b:s10+s2] =	stream.linear.scatter [tilespmem:s7], [sflag:$0x2], $0x8000, $0x38;
	[tilespmem:$0x8100] =	vst v63  }
0x27: {  	_ =	swait.ge [sflag:s3], $0x8000  }
0x28: {  	[sflag:s3] =	ssyncset.done $0x0  }
.LBB2_2:
0x29: {  	[sflag:s3] =	ssyncadd.s32 $0xFFFF8000  }
0x2a: {  	_ =	sfence.sel $0x180000  }
0x2b: {  	[bflag:$0x0] =	sbarrier.arrive $0xFFFF  }
0x2c: {  	p0 =	sne.s32 s0, $0x0;
	_ =	strace $0x9000004A  }
0x2d: {  	s0 =	sadd.s32 @!p0 $0x100000, s1;
	[bflag:$0x2] =	sbarrier.arrive $0xFFFF  }
0x2e: {  	[sflag:s0] =	ssyncadd.tile.s32 @!p0 $0x1;
	_ =	shalt  }
.Lfunc_end2:
_tile_overlayer_lowered:
.L_overlay_start_2:
0x2f: {  	(tag) =	ssettag $0x2  }
0x30: {  	s0 =	rddreg [dreg:$0x0];
	s2 =	stileid.u32  }
0x31: {  	s1 =	rddreg [dreg:$0x1];
	p0 =	sne.s32 s2, $0x0  }
0x32: {  	s3 =	rddreg [dreg:$0x2];
	[bflag:$0x3] =	sbarrier.arrive $0xFFFF;
	s2 =	simm.s32 @!p0 $0x1C02  }
0x33: {  	[timem:s3], [sflag:s2] =	dma.local @!p0 [hbm:s0], s1  }
0x34: {  	s0 =	simm.s32 @!p0 $0x2  }
0x35: {  	_ =	swait.ge @!p0 [sflag:s0], s1  }
0x36: {  	s1 =	ssub.s32 @!p0 $0x0, s1;
	[sflag:s0] =	ssyncset.done @!p0 $0x0  }
0x37: {  	[sflag:s0] =	ssyncadd.s32 @!p0 s1  }
0x38: {  	[bflag:$0x3] =	sbarrier.arrive $0xFFFF  }
0x39: {  	_ =	shalt  }

// kernel: kernel.9.cloned.1.call-start
scs
__scs_entry_jumppad:
0x0: {  	(pc) =	sbr.rel $0x88, $3  }
0x1: {  	(tag) =	ssettag $0x0;
	lr =	simm.s32 $0x1  }
0x2: {  	[smem:$0x3F9F] =	sst lr;
	_ =	strace $0xD0000000  }
0x3: {  	_ = 	snop  }
0x4: {  	_ = 	snop  }
0x5: {  	_ = 	snop  }
0x6: {  	_ = 	snop  }
0x7: {  	_ = 	snop  }
__scs_overlays_trampoline_lowered:
0x8: {  	[smem:$0x3FAE] =	sst s0  }
0x9: {  	[smem:$0x3FAF] =	sst s1  }
0xa: {  	[smem:$0x3FB0] =	sst s2  }
0xb: {  	[smem:$0x3FB1] =	sst s3  }
0xc: {  	[smem:$0x3FB2] =	sst s4  }
0xd: {  	[smem:$0x3FB3] =	sst s5  }
0xe: {  	[smem:$0x3FB4] =	sst s6  }
0xf: {  	[smem:$0x3FB5] =	sst s7  }
0x10: {  	[smem:$0x3FB6] =	sst s8  }
0x11: {  	[smem:$0x3FB7] =	sst s9;
	s0 =	simm.s32 @!p0 $0x0  }
0x12: {  	s1 =	sld [smem:$0x3F9D];
	s0 =	simm.s32 @p0 $0x1  }
0x13: {  	[smem:$0x3FB8] =	sst s0;
	s0 =	simm.s32 @!p1 $0x0  }
0x14: {  	s2 =	sld [smem:$0x3F9C];
	s0 =	simm.s32 @p1 $0x1  }
0x15: {  	[smem:$0x3FB9] =	sst s0;
	s0 =	simm.s32 @!p2 $0x0  }
0x16: {  	s3 =	sld [smem:$0x3FDB];
	s0 =	simm.s32 @p2 $0x1  }
0x17: {  	s4 =	simm.s32 $0x1BF5;
	[smem:$0x3FBB] =	sst s0  }
0x18: {  	s0 =	sld [smem:$0x3F9E];
	_ =	swait.ge [sflag:s4], $0x0  }
0x19: {  	s7 =	sld [smem:$0x3F9F]  }
0x1a: {  	s8 =	sadd.s32 $0xFFFFE003, lr  }
0x1b: {  	s9 =	sadd.s32 $0xFFFFFEF7, lr;
	s5 =	simm.s32 $0xFFFFFFFF;
	p2 =	slt.u32 s8, $0xFFFFF086  }
0x1c: {  	p1 =	slt.u32 s9, $0xF7A;
	s5 =	simm.s32 @!p2 $0x0  }
0x1d: {  	s5 =	simm.s32 @p1 $0x1;
	p0 =	seq.s32 s7, s2  }
0x1e: {  	s7 =	smul.u32 @!p0 $0xF7A, s2;
	p2 =	seq.s32 @!p0 s5, $0x0  }
0x1f: {  	s9 =	smul.u32 $0xF7A, s1;
	s8 =	simm.s32 @!p0 $0x1BF5;
	p2 =	por !p2, p0  }
0x20: {  	[sflag:s8] =	ssyncset.s32 @!p0 $0xFFFFF086;
	s6 =	sadd.s32 @!p0 s3, s7;
	s7 =	simm.s32 @!p0 $0x108  }
0x21: {  	s3 =	sadd.s32 s3, s9;
	s6 =	sadd.s32 @!p0 $0x88, s6;
	s7 =	simm.s32 @p2 $0x1082  }
0x22: {  	[simem:s7], [sflag:s8] =	dma.local @!p0 [hbm:s6], $0xF7A  }
0x23: {  	s9 =	sor.u32 $0xD0000000, s2;
	s6 =	simm.s32 $0x108;
	_ =	swait.ge @!p0 [sflag:s8], $0x0  }
0x24: {  	s3 =	sadd.s32 $0x88, s3;
	s6 =	simm.s32 @!p1 $0x1082;
	[sflag:s4] =	ssyncset.s32 $0xFFFFF086  }
0x25: {  	[simem:s6], [sflag:s4] =	dma.local [hbm:s3], $0xF7A  }
0x26: {  	[smem:$0x3F9F] =	sst s1;
	(tag) =	ssettag s2;
	_ =	strace s9  }
0x27: {  	s1 =	sld [smem:$0x3FAF]  }
0x28: {  	s2 =	sld [smem:$0x3FB0]  }
0x29: {  	s4 =	sld [smem:$0x3FB2]  }
0x2a: {  	p0 =	seq.s32 s5, $0x0;
	s5 =	sld [smem:$0x3FB3]  }
0x2b: {  	s6 =	sld [smem:$0x3FB4]  }
0x2c: {  	s7 =	sld [smem:$0x3FB5]  }
0x2d: {  	s3 =	simm.s32 $0x108;
	s8 =	sld [smem:$0x3FB6]  }
0x2e: {  	s3 =	simm.s32 @!p0 $0x1082;
	s9 =	sld [smem:$0x3FB7]  }
0x2f: {  	lr =	sadd.s32 s0, s3;
	s0 =	sld [smem:$0x3FAE]  }
0x30: {  	s3 =	sld [smem:$0x3FB1]  }
0x31: {  	[smem:$0x3FBA] =	sst s10  }
0x32: {  	s10 =	sld [smem:$0x3FB8];
	_ =	sdelay $0x3  }
0x33: {  	p0 =	seq.s32 s10, $0x1;
	s10 =	sld [smem:$0x3FBA];
	_ =	sdelay $0x3  }
0x34: {  	[smem:$0x3FBA] =	sst s10  }
0x35: {  	s10 =	sld [smem:$0x3FB9];
	_ =	sdelay $0x3  }
0x36: {  	p1 =	seq.s32 s10, $0x1;
	s10 =	sld [smem:$0x3FBA];
	_ =	sdelay $0x3  }
0x37: {  	[smem:$0x3FBA] =	sst s10  }
0x38: {  	s10 =	sld [smem:$0x3FBB]  }
0x39: {  	_ = 	snop;
	(pc) =	sbr.ind lr, $3  }
0x3a: {  	_ = 	snop  }
0x3b: {  	_ = 	snop  }
0x3c: {  	p2 =	seq.s32 s10, $0x1;
	s10 =	sld [smem:$0x3FBA]  }
0x3d: {  	_ =	shalt  }
0x3e: {  	_ =	shalt  }
0x3f: {  	_ =	shalt  }
0x40: {  	_ =	shalt  }
0x41: {  	_ =	shalt  }
0x42: {  	_ =	shalt  }
0x43: {  	_ =	shalt  }
0x44: {  	_ =	shalt  }
0x45: {  	_ =	shalt  }
0x46: {  	_ =	shalt  }
0x47: {  	_ =	shalt  }
0x48: {  	_ =	shalt  }
0x49: {  	_ =	shalt  }
0x4a: {  	_ =	shalt  }
0x4b: {  	_ =	shalt  }
0x4c: {  	_ =	shalt  }
0x4d: {  	_ =	shalt  }
0x4e: {  	_ =	shalt  }
0x4f: {  	_ =	shalt  }
0x50: {  	_ =	shalt  }
0x51: {  	_ =	shalt  }
0x52: {  	_ =	shalt  }
0x53: {  	_ =	shalt  }
0x54: {  	_ =	shalt  }
0x55: {  	_ =	shalt  }
0x56: {  	_ =	shalt  }
0x57: {  	_ =	shalt  }
0x58: {  	_ =	shalt  }
0x59: {  	_ =	shalt  }
0x5a: {  	_ =	shalt  }
0x5b: {  	_ =	shalt  }
0x5c: {  	_ =	shalt  }
0x5d: {  	_ =	shalt  }
0x5e: {  	_ =	shalt  }
0x5f: {  	_ =	shalt  }
0x60: {  	_ =	shalt  }
0x61: {  	_ =	shalt  }
0x62: {  	_ =	shalt  }
0x63: {  	_ =	shalt  }
0x64: {  	_ =	shalt  }
0x65: {  	_ =	shalt  }
0x66: {  	_ =	shalt  }
0x67: {  	_ =	shalt  }
0x68: {  	_ =	shalt  }
0x69: {  	_ =	shalt  }
0x6a: {  	_ =	shalt  }
0x6b: {  	_ =	shalt  }
0x6c: {  	_ =	shalt  }
0x6d: {  	_ =	shalt  }
0x6e: {  	_ =	shalt  }
0x6f: {  	_ =	shalt  }
0x70: {  	_ =	shalt  }
0x71: {  	_ =	shalt  }
0x72: {  	_ =	shalt  }
0x73: {  	_ =	shalt  }
0x74: {  	_ =	shalt  }
0x75: {  	_ =	shalt  }
0x76: {  	_ =	shalt  }
0x77: {  	_ =	shalt  }
0x78: {  	_ =	shalt  }
0x79: {  	_ =	shalt  }
0x7a: {  	_ =	shalt  }
0x7b: {  	_ =	shalt  }
0x7c: {  	_ =	shalt  }
0x7d: {  	_ =	shalt  }
0x7e: {  	_ =	shalt  }
0x7f: {  	_ =	shalt  }
0x80: {  	_ =	shalt  }
0x81: {  	_ =	shalt  }
0x82: {  	_ =	shalt  }
0x83: {  	_ =	shalt  }
0x84: {  	_ =	shalt  }
0x85: {  	_ =	shalt  }
0x86: {  	_ =	shalt  }
0x87: {  	_ =	shalt  }
.Lfunc_end0:
.L_simem_size_0:
called_computation.1_lowered:
.L_overlay_start_0:
0x88: {  	s2 =	sld [smem:$0x3FD9]  }
0x89: {  	s3 =	sld [smem:$0x3FFE];
	_ =	sdelay $0x1  }
0x8a: {  	s1 =	srdreg.scid  }
0x8b: {  	s0 =	sand.u32 $0x1, s1  }
0x8c: {  	s16 =	sshll.u32 s0, $0xA;
	s2 =	sadd.s32 s3, s2  }
0x8d: {  	s2 =	sadd.s32 s2, s16  }
0x8e: {  	[smem:$0x3FC6] =	sst s2  }
0x8f: {  	_ = 	snop  }
0x90: {  	(tm) =	ssettm $0x1  }
0x91: {  	s17 =	sld [smem:$0x3FFB];
	_ =	sdelay $0x3  }
0x92: {  	_ =	strace s17  }
0x93: {  	s2 =	sld [smem:$0x3FFC];
	_ =	sdelay $0x3  }
0x94: {  	_ =	strace s2  }
0x95: {  	s2 =	sld [smem:$0x3FFD];
	_ =	sdelay $0x3  }
0x96: {  	_ =	strace s2  }
0x97: {  	_ =	strace $0x8FFFFFFF  }
0x98: {  	s18 =	sld [smem:$0x3FDB];
	_ =	sdelay $0x1  }
0x99: {  	s19 =	simm.s32 $_scs_section_size  }
0x9a: {  	s4 =	simm.s32 $_size__tile_overlayer_lowered;
	s5 =	simm.s32 $_tile_overlayer_lowered  }
0x9b: {  	s22 =	simm.s32 $0x1BFF;
	s21 =	sshll.u32 s5, $0x1;
	s2 =	sadd.s32 s19, s18  }
0x9c: {  	s6 =	simm.s32 $0x0;
	s20 =	sshll.u32 s4, $0x1;
	s4 =	sadd.s32 s21, s2  }
0x9d: {  	[timem:s6], [sflag:s22] =	dma.local [hbm:s4], s20  }
0x9e: {  	_ =	swait.ge [sflag:s22], s20  }
0x9f: {  	s3 =	ssub.s32 $0x0, s20;
	[sflag:s22] =	ssyncset.done $0x0  }
0xa0: {  	[sflag:s22] =	ssyncadd.s32 s3;
	_ =	sdelay $0x1  }
0xa1: {  	s23 =	simm.s32 $0x1B8B  }
0xa2: {  	_ =	swait.ge [sflag:s23], $0x1  }
0xa3: {  	[sflag:s23] =	ssyncset.done $0x0  }
0xa4: {  	s25 =	simm.s32 $0x1B8E;
	s24 =	sld [smem:$0x3FFE];
	[sflag:s23] =	ssyncadd.s32 $0xFFFFFFFF  }
0xa5: {  	s26 =	simm.s32 $execute0_lowered;
	[smem:$0x3FD2] =	sst s25  }
0xa6: {  	s4 =	sshll.u32 s26, $0x1;
	_ =	strace $0x80000046;
	[dreg:$0x1] =	wrdreg $0xFFFFFFFF  }
0xa7: {  	s28 =	simm.s32 $_size_execute0_lowered;
	s2 =	sadd.s32 s2, s4;
	[dreg:$0x0] =	wrdreg $0x0  }
0xa8: {  	s4 =	sshll.u32 s28, $0x1;
	[dreg:$0x2] =	wrdreg s2  }
0xa9: {  	[dreg:$0x3] =	wrdreg s4  }
0xaa: {  	[dreg:$0x4] =	wrdreg $0xC0  }
0xab: {  	_ =	task [dreg:s6], $0x5FFFF  }
0xac: {  	[dreg:$0x1] =	wrdreg $0xFFFFFFFF  }
0xad: {  	[dreg:$0x0] =	wrdreg $0x60  }
0xae: {  	[dreg:$0x2] =	wrdreg s24  }
0xaf: {  	[dreg:$0x3] =	wrdreg $0xA  }
0xb0: {  	_ =	task.clear_ibuf [dreg:s6], $0x4FFFF;
	_ =	strace $0x90000046  }
0xb1: {  	s29 =	simm.s32 $0xA;
	_ =	strace $0x80000048  }
0xb2: {  	_ =	swait.ge [sflag:s29], $0x1  }
0xb3: {  	[sflag:s29] =	ssyncadd.s32 $0xFFFFFFFF  }
0xb4: {  	_ =	strace $0x90000048  }
0xb5: {  	_ =	sfence  }
0xb6: {  	s30 =	sld [smem:$0x0];
	_ =	sdelay $0x2  }
0xb7: {  	s31 =	sshll.u32 s1, $0xD;
	s1 =	sshrl.u32 s1, $0x2  }
0xb8: {  	s3 =	sand.u32 $0x4000, s31;
	s1 =	sadd.s32 s1, s30  }
0xb9: {  	s0 =	sor.u32 s3, s0;
	s1 =	sshll.u32 s1, $0x11  }
0xba: {  	s0 =	sor.u32 s1, s0  }
0xbb: {  	s0 =	sadd.s32 $0x8F2B, s0  }
0xbc: {  	[sflag:s0] =	ssyncadd.remote.s32 $0x1  }
0xbd: {  	_ =	sfence.sel $0xFFFF  }
0xbe: {  	[dreg:$0x0] =	wrdreg $0xFFFFFFFF;
	(pc) =	sbr.abs _section_cstart, $3  }
0xbf: {  	[dreg:$0x1] =	wrdreg $0xFFFFFFFF  }
0xc0: {  	_ =	task.clear_ibuf [dreg:s6], $0x2FFFF;
	_ =	strace $0x9FFFFFFF  }
0xc1: {  	(tm) =	ssettm $0x7FFFFFFF  }
tec
execute0_lowered:
.L_overlay_start_1:
0x0: {  	(tag) =	ssettag $0x1  }
0x1: {  	s1 =	srdreg.scid  }
0x2: {  	s0 =	stileid.u32;
	s10 =	sand.u32 $0x1, s1  }
0x3: {  	s29 =	sshll.u32 s0, $0x9;
	s2 =	sshll.u32 s10, $0x8  }
0x4: {  	s11 =	rddreg [dreg:$0x0];
	s12 =	sor.u32 s2, s29  }
0x5: {  	s1 =	rddreg [dreg:$0x1];
	s2 =	simm.s32 $0x0;
	s3 =	sshrl.u32 s12, $0x3  }
0x6: {  	[smem:$0x7FF] =	sst s2;
	s3 =	sadd.s32 s3, s11  }
0x7: {  	_ =	strace $0x80000047;
	s4 =	sadd.s32 $0x40000, s3;
	s3 =	simm.s32 $0x2  }
0x8: {  	[tilespmem:s2], [sflag:$0x2] =	stream.linear.gather [hbm4b:s4+s2], $0x100, $0x38;
	[tilespmem:$0x8100] =	vst v63  }
0x9: {  	_ =	swait.ge [sflag:s3], $0x100  }
0xa: {  	s6 =	simm.s32 $0x80;
	[sflag:s3] =	ssyncset.done $0x0  }
0xb: {  	s7 =	simm.s32 $0x100;
	s5 =	sadd.s32 $0x40400, s11;
	[sflag:s3] =	ssyncadd.s32 $0xFFFFFF00  }
0xc: {  	[tilespmem:s7], [sflag:$0x1] =	stream.indirect.gather [hbm4b:s5+s6], $0x80, s2, s6, $0xb8;
	[tilespmem:$0x8100] =	vst v63  }
0xd: {  	s8 =	simm.s32 $0x4100;
	s9 =	simm.s32 $0x1;
	s10 =	ssub.s32 $0x2, s10  }
0xe: {  	[tilespmem:s8], [sflag:$0x1] =	stream.indirect.gather [hbm4b:s5+s6], $0x80, s6, s6, $0xb8;
	[tilespmem:$0x8100] =	vst v63  }
0xf: {  	s13 =	sshrl.u32 s10, $0x1;
	_ =	swait.ge [sflag:s9], $0x4000  }
0x10: {  	s30 =	ssub.s32 s10, s13;
	[sflag:s9] =	ssyncset.done $0x0  }
0x11: {  	s31 =	smax.u32 s30, $0x1;
	[sflag:s9] =	ssyncadd.s32 $0xFFFFC000  }
0x12: {  	s12 =	sshll.u32 s12, $0x4;
	p0 =	sne.s32 s31, $0x1;
	_ =	swait.ge [sflag:s9], $0x4000  }
.Ltmp0:
0x13: {  	s11 =	sadd.s32 s12, s11;
	[sflag:s9] =	ssyncset.done $0x0;
	(pc) =	sbr.rel @!p0 .LBB2_2-.Ltmp0, $4  }
0x14: {  	s10 =	sadd.s32 $0x44400, s11;
	[sflag:s9] =	ssyncadd.s32 $0xFFFFC000  }
0x15: {  	[hbm4b:s10+s2] =	stream.linear.scatter [tilespmem:s7], [sflag:$0x2], $0x8000, $0x38;
	[tilespmem:$0x8100] =	vst v63  }
0x16: {  	_ =	swait.ge [sflag:s3], $0x8000  }
0x17: {  	s11 =	sadd.s32 $0xFFFFFFFF, s31;
	[sflag:s3] =	ssyncset.done $0x0  }
.LBB2_1:
0x18: {  	p0 =	sne.s32 s11, $0x1;
	s11 =	sadd.s32 $0xFFFFFFFF, s11;
	[sflag:s3] =	ssyncadd.s32 $0xFFFF8000  }
0x19: {  	[tilespmem:s2], [sflag:$0x2] =	stream.linear.gather [hbm4b:s4+s2], $0x100, $0x38;
	[tilespmem:$0x8100] =	vst v63  }
0x1a: {  	_ =	swait.ge [sflag:s3], $0x100  }
0x1b: {  	[sflag:s3] =	ssyncset.done $0x0  }
0x1c: {  	[sflag:s3] =	ssyncadd.s32 $0xFFFFFF00  }
0x1d: {  	[tilespmem:s7], [sflag:$0x1] =	stream.indirect.gather [hbm4b:s5+s6], $0x80, s2, s6, $0xb8;
	[tilespmem:$0x8100] =	vst v63  }
0x1e: {  	_ = 	snop  }
0x1f: {  	[tilespmem:s8], [sflag:$0x1] =	stream.indirect.gather [hbm4b:s5+s6], $0x80, s6, s6, $0xb8;
	[tilespmem:$0x8100] =	vst v63  }
0x20: {  	_ =	swait.ge [sflag:s9], $0x4000  }
0x21: {  	[sflag:s9] =	ssyncset.done $0x0  }
0x22: {  	[sflag:s9] =	ssyncadd.s32 $0xFFFFC000  }
0x23: {  	_ =	swait.ge [sflag:s9], $0x4000  }
.Ltmp1:
0x24: {  	[sflag:s9] =	ssyncset.done $0x0;
	(pc) =	sbr.rel @p0 .LBB2_1-.Ltmp1, $4  }
0x25: {  	[sflag:s9] =	ssyncadd.s32 $0xFFFFC000  }
0x26: {  	[hbm4b:s10+s2] =	stream.linear.scatter [tilespmem:s7], [sflag:$0x2], $0x8000, $0x38;
	[tilespmem:$0x8100] =	vst v63  }
0x27: {  	_ =	swait.ge [sflag:s3], $0x8000  }
0x28: {  	[sflag:s3] =	ssyncset.done $0x0  }
.LBB2_2:
0x29: {  	[sflag:s3] =	ssyncadd.s32 $0xFFFF8000  }
0x2a: {  	_ =	sfence.sel $0x180000  }
0x2b: {  	[bflag:$0x0] =	sbarrier.arrive $0xFFFF  }
0x2c: {  	p0 =	sne.s32 s0, $0x0;
	_ =	strace $0x90000047  }
0x2d: {  	s0 =	sadd.s32 @!p0 $0x100000, s1;
	[bflag:$0x2] =	sbarrier.arrive $0xFFFF  }
0x2e: {  	[sflag:s0] =	ssyncadd.tile.s32 @!p0 $0x1;
	_ =	shalt  }
.Lfunc_end2:
_tile_overlayer_lowered:
.L_overlay_start_2:
0x2f: {  	(tag) =	ssettag $0x2  }
0x30: {  	s0 =	rddreg [dreg:$0x0];
	s2 =	stileid.u32  }
0x31: {  	s1 =	rddreg [dreg:$0x1];
	p0 =	sne.s32 s2, $0x0  }
0x32: {  	s3 =	rddreg [dreg:$0x2];
	[bflag:$0x3] =	sbarrier.arrive $0xFFFF;
	s2 =	simm.s32 @!p0 $0x1C02  }
0x33: {  	[timem:s3], [sflag:s2] =	dma.local @!p0 [hbm:s0], s1  }
0x34: {  	s0 =	simm.s32 @!p0 $0x2  }
0x35: {  	_ =	swait.ge @!p0 [sflag:s0], s1  }
0x36: {  	s1 =	ssub.s32 @!p0 $0x0, s1;
	[sflag:s0] =	ssyncset.done @!p0 $0x0  }
0x37: {  	[sflag:s0] =	ssyncadd.s32 @!p0 s1  }
0x38: {  	[bflag:$0x3] =	sbarrier.arrive $0xFFFF  }
0x39: {  	_ =	shalt  }

</sc_bundles>
